<compile_context>
chip_gen: v7x
topology: tpu7x:2x2x1
jax: 0.10.2.dev20260603
libtpu: 0.0.44.dev20260713+nightly
codegen_flags: <defaults>
</compile_context>

<pallas_src>
import functools

import numpy as np
import jax
import jax.numpy as jnp
from jax import lax
from jax.experimental import pallas as pl
from jax.experimental.pallas import tpu as pltpu
from jax.experimental.pallas import tpu_sc as plsc

H = W = 512
B = 8
N = H * W
NT = 32
P = N // NT
ROWS = 32
CH = 128
NCH = P // CH


@functools.lru_cache(maxsize=1)
def _metadata():
    x, y = np.meshgrid(np.arange(W, dtype=np.float32),
                       np.arange(H, dtype=np.float32))
    x = x - np.float32(W / 2.0)
    y = y - np.float32(H / 2.0)
    r = np.sqrt(x * x + y * y) / np.float32(np.sqrt(float(H * H + W * W)))
    th = np.arctan2(y, x)
    r = r * np.sign(np.cos(th)) + np.float32(0.5)
    r = r * np.float32(W - 1)
    t2 = np.arctan(np.tan(th)) + np.float32(np.pi / 2)
    t2 = t2 * np.float32((H - 1) / np.pi)
    qy = t2.reshape(-1).astype(np.float32)
    qx = r.reshape(-1).astype(np.float32)
    fy = np.clip(np.floor(qy), 0, H - 2).astype(np.float32)
    fx = np.clip(np.floor(qx), 0, W - 2).astype(np.float32)
    iy = fy.astype(np.int32)
    ix = fx.astype(np.int32)
    ay = np.clip(qy - fy, 0.0, 1.0).astype(np.float32)
    ax = np.clip(qx - fx, 0.0, 1.0).astype(np.float32)

    perm = np.argsort(iy, kind="stable").astype(np.int32)
    iys, ixs = iy[perm], ix[perm]
    loc = np.zeros(N, np.int32)
    rstart = np.zeros((NT, 16), np.int32)
    for t in range(NT):
        s, e = t * P, (t + 1) * P
        rs = min(int(iys[s]), H - ROWS)
        rstart[t, :] = rs
        assert int(iys[e - 1]) + 1 - rs < ROWS
        loc[s:e] = (iys[s:e] - rs) * W + ixs[s:e]
    return (rstart,
            loc.reshape(NT, P),
            ax[perm].reshape(NT, P).astype(np.float32),
            ay[perm].reshape(NT, P).astype(np.float32),
            perm.reshape(NT, NCH, CH))


def _build_call():
    mesh = plsc.VectorSubcoreMesh(core_axis_name="c", subcore_axis_name="s")

    @functools.partial(
        pl.kernel,
        mesh=mesh,
        compiler_params=pltpu.CompilerParams(needs_layout_passes=False, use_tc_tiling_on_sc=False),
        out_type=jax.ShapeDtypeStruct((B, N, 1), jnp.float32),
        scratch_types=[
            pltpu.VMEM((16,), jnp.int32),
            pltpu.VMEM((ROWS * W,), jnp.float32),
            pltpu.VMEM((P,), jnp.int32),
            pltpu.VMEM((P,), jnp.float32),
            pltpu.VMEM((P,), jnp.float32),
            pltpu.VMEM((NCH, CH), jnp.int32),
            pltpu.VMEM((P, 1), jnp.float32),
            pltpu.SemaphoreType.DMA,
        ],
    )
    def polar2cart(in_hbm, rstart_hbm, loc_hbm, wx_hbm, wy_hbm, perm_hbm,
                   out_hbm, rs_v, img_v, loc_v, wx_v, wy_v, perm_v,
                   acc_v, sem):
        wid = lax.axis_index("s") * 2 + lax.axis_index("c")
        pltpu.sync_copy(rstart_hbm.at[wid], rs_v)
        pltpu.sync_copy(loc_hbm.at[wid], loc_v)
        pltpu.sync_copy(wx_hbm.at[wid], wx_v)
        pltpu.sync_copy(wy_hbm.at[wid], wy_v)
        pltpu.sync_copy(perm_hbm.at[wid], perm_v)

        base0 = rs_v[pl.ds(0, 16)][0] * W

        def batch_body(b, carry):
            pltpu.async_copy(in_hbm.at[pl.ds(b * N + base0, ROWS * W)],
                             img_v, sem).wait()

            def px_body(i, c):
                sl = pl.ds(i * 16, 16)
                l = loc_v[sl]
                v00 = plsc.load_gather(img_v, [l])
                v01 = plsc.load_gather(img_v, [l + 1])
                v10 = plsc.load_gather(img_v, [l + W])
                v11 = plsc.load_gather(img_v, [l + (W + 1)])
                ax = wx_v[sl]
                ay = wy_v[sl]
                top = v00 + ax * (v01 - v00)
                bot = v10 + ax * (v11 - v10)
                res = top + ay * (bot - top)
                pos = i * 16 + lax.iota(jnp.int32, 16)
                plsc.store_scatter(acc_v, [pos, pos * 0], res)
                return c

            lax.fori_loop(0, P // 16, px_body, 0)

            def scat_body(j, c):
                pltpu.async_copy(acc_v.at[pl.ds(j * CH, CH), :],
                                 out_hbm.at[b].at[perm_v.at[j]], sem).wait()
                return c

            lax.fori_loop(0, NCH, scat_body, 0)
            return carry

        lax.fori_loop(0, B, batch_body, 0)

    return polar2cart


def kernel(inputs):
    rstart, loc, wx, wy, perm = _metadata()
    call = _build_call()
    out = call(inputs.reshape(B * N),
               jnp.asarray(rstart), jnp.asarray(loc),
               jnp.asarray(wx), jnp.asarray(wy), jnp.asarray(perm))
    return out.reshape(B, H, W, 1)

# --- scband reference (transcript-rebuilt; emitter-appended) ---
"""Pipeline reference for scband-polar2-cart-64561948393605 (READ-ONLY COPY).

The authoritative reference and input builder live on the scoring server;
editing this copy changes nothing except your own understanding.
"""

import jax, jax.numpy as jnp
import numpy as np

H_OUT = 512
W_OUT = 512


def _compute_coords(angle_res, r_res, h, w):
    x, y = jnp.meshgrid(jnp.arange(0, w, dtype=jnp.float32), jnp.arange(0, h, dtype=jnp.float32))
    x = x - (w / 2.0)
    y = y - (h / 2.0)
    r = jnp.sqrt(x * x + y * y)
    r = r / jnp.sqrt(float(h * h + w * w))
    th = jnp.arctan2(y, x)
    r = r * jnp.sign(jnp.cos(th)) + 0.5
    r = r * (r_res - 1)
    th = jnp.arctan(jnp.tan(th)) + np.pi / 2
    th = th * (angle_res - 1) / np.pi
    coords = jnp.stack([th, r], axis=-1)
    return coords.reshape(1, -1, 2)


def _interpolate_bilinear_ij(grid, query):
    # grid: (B, H, W, C); query: (1 or B, N, 2) with (row, col) in 'ij' indexing.
    b, hh, ww, c = grid.shape
    query = jnp.broadcast_to(query, (b, query.shape[1], 2))
    qy = query[..., 0]
    qx = query[..., 1]
    fy = jnp.clip(jnp.floor(qy), 0.0, float(hh - 2))
    fx = jnp.clip(jnp.floor(qx), 0.0, float(ww - 2))
    iy = fy.astype(jnp.int32)
    ix = fx.astype(jnp.int32)
    ay = jnp.clip(qy - fy, 0.0, 1.0)[..., None]
    ax = jnp.clip(qx - fx, 0.0, 1.0)[..., None]
    flat = grid.reshape(b, hh * ww, c)

    def g(yi, xi):
        lin = yi * ww + xi
        return jnp.take_along_axis(flat, lin[..., None], axis=1)

    tl = g(iy, ix)
    tr = g(iy, ix + 1)
    bl = g(iy + 1, ix)
    br = g(iy + 1, ix + 1)
    top = tl + ax * (tr - tl)
    bottom = bl + ax * (br - bl)
    return top + ay * (bottom - top)


def setup_inputs(seed: int = 0) -> dict:
    key = jax.random.key(seed)
    inputs = jax.random.normal(key, (8, 512, 512, 1), dtype=jnp.float32)
    return {"inputs": inputs}


def reference(inputs):
    b, angle_res, r_res, c = inputs.shape
    coords = _compute_coords(angle_res, r_res, H_OUT, W_OUT)
    out = _interpolate_bilinear_ij(inputs, coords)
    return out.reshape(-1, H_OUT, W_OUT, 1)

if __name__ == "__main__":
    import jax
    _d = setup_inputs()
    print(jax.jit(kernel)(*tuple(_d.values())))

</pallas_src>

<mosaic_0001>
#map = affine_map<(d0, d1) -> (0)>
#map1 = affine_map<(d0, d1) -> (0, 0)>
#map2 = affine_map<(d0, d1) -> (0, 0, 0)>
module attributes {stable_mosaic.version = 14 : i64} {
  func.func @polar2cart(%arg0: i32, %arg1: i32, %arg2: memref<2097152xf32, #tpu.memory_space<hbm>>, %arg3: memref<32x16xi32, #tpu.memory_space<hbm>>, %arg4: memref<32x8192xi32, #tpu.memory_space<hbm>>, %arg5: memref<32x8192xf32, #tpu.memory_space<hbm>>, %arg6: memref<32x8192xf32, #tpu.memory_space<hbm>>, %arg7: memref<32x64x128xi32, #tpu.memory_space<hbm>>, %arg8: memref<8x262144x1xf32, #tpu.memory_space<hbm>>, %arg9: memref<16xi32, #tpu.memory_space<vmem>>, %arg10: memref<16384xf32, #tpu.memory_space<vmem>>, %arg11: memref<8192xi32, #tpu.memory_space<vmem>>, %arg12: memref<8192xf32, #tpu.memory_space<vmem>>, %arg13: memref<8192xf32, #tpu.memory_space<vmem>>, %arg14: memref<64x128xi32, #tpu.memory_space<vmem>>, %arg15: memref<8192x1xf32, #tpu.memory_space<vmem>>, %arg16: memref<!tpu.dma_semaphore, #tpu.memory_space<semaphore_mem>>) attributes {dimension_semantics = [#tpu.dimension_semantics<core_parallel>, #tpu.dimension_semantics<subcore_parallel>], iteration_bounds = array<i64: 2, 16>, scalar_prefetch = 0 : i64, scratch_operands = 8 : i64, tpu.core_type = #tpu.core_type<sc_vector_subcore>, window_params = [{transform_indices = #map}, {transform_indices = #map1}, {transform_indices = #map1}, {transform_indices = #map1}, {transform_indices = #map1}, {transform_indices = #map2}, {transform_indices = #map2}]} {
    %mul3A = arith.constant 2 : i32
    %mul3A_0 = arith.muli %arg1, %mul3A : i32
    %add3A = arith.addi %mul3A_0, %arg0 : i32
    "tpu.region"() ({
      %run_scoped3A = tpu.sem_alloc : memref<!tpu.dma_semaphore, #tpu.memory_space<semaphore_mem>>
      %dma_start3A = arith.constant 0 : i32
      %dma_start3A_9 = tpu.memref_slice %arg3[%add3A, %dma_start3A] : memref<32x16xi32, #tpu.memory_space<hbm>> -> memref<1x16xi32, #tpu.memory_space<hbm>>
      %dma_start3A_10 = tpu.memref_squeeze %dma_start3A_9 : memref<1x16xi32, #tpu.memory_space<hbm>> -> memref<16xi32, #tpu.memory_space<hbm>>
      %dma_start3A_11 = arith.constant 0 : i32
      %dma_start3A_12 = tpu.memref_slice %arg3[%add3A, %dma_start3A_11] : memref<32x16xi32, #tpu.memory_space<hbm>> -> memref<1x16xi32, #tpu.memory_space<hbm>>
      %dma_start3A_13 = tpu.memref_squeeze %dma_start3A_12 : memref<1x16xi32, #tpu.memory_space<hbm>> -> memref<16xi32, #tpu.memory_space<hbm>>
      tpu.enqueue_dma source(%dma_start3A_13 : memref<16xi32, #tpu.memory_space<hbm>>) target(%arg9 : memref<16xi32, #tpu.memory_space<vmem>>) target_semaphore(%run_scoped3A : memref<!tpu.dma_semaphore, #tpu.memory_space<semaphore_mem>>)
      %dma_wait3A = arith.constant 0 : i32
      %dma_wait3A_14 = tpu.memref_slice %arg3[%add3A, %dma_wait3A] : memref<32x16xi32, #tpu.memory_space<hbm>> -> memref<1x16xi32, #tpu.memory_space<hbm>>
      %dma_wait3A_15 = tpu.memref_squeeze %dma_wait3A_14 : memref<1x16xi32, #tpu.memory_space<hbm>> -> memref<16xi32, #tpu.memory_space<hbm>>
      %dma_wait3A_16 = arith.constant 0 : i32
      %dma_wait3A_17 = tpu.memref_slice %arg3[%add3A, %dma_wait3A_16] : memref<32x16xi32, #tpu.memory_space<hbm>> -> memref<1x16xi32, #tpu.memory_space<hbm>>
      %dma_wait3A_18 = tpu.memref_squeeze %dma_wait3A_17 : memref<1x16xi32, #tpu.memory_space<hbm>> -> memref<16xi32, #tpu.memory_space<hbm>>
      tpu.wait_dma2 semaphore(%run_scoped3A : memref<!tpu.dma_semaphore, #tpu.memory_space<semaphore_mem>>) src(%dma_wait3A_18 : memref<16xi32, #tpu.memory_space<hbm>>) dst(%arg9 : memref<16xi32, #tpu.memory_space<vmem>>)
      tpu.yield
    }) : () -> ()
    "tpu.region"() ({
      %run_scoped3A = tpu.sem_alloc : memref<!tpu.dma_semaphore, #tpu.memory_space<semaphore_mem>>
      %dma_start3A = arith.constant 0 : i32
      %dma_start3A_9 = tpu.memref_slice %arg4[%add3A, %dma_start3A] : memref<32x8192xi32, #tpu.memory_space<hbm>> -> memref<1x8192xi32, #tpu.memory_space<hbm>>
      %dma_start3A_10 = tpu.memref_squeeze %dma_start3A_9 : memref<1x8192xi32, #tpu.memory_space<hbm>> -> memref<8192xi32, #tpu.memory_space<hbm>>
      %dma_start3A_11 = arith.constant 0 : i32
      %dma_start3A_12 = tpu.memref_slice %arg4[%add3A, %dma_start3A_11] : memref<32x8192xi32, #tpu.memory_space<hbm>> -> memref<1x8192xi32, #tpu.memory_space<hbm>>
      %dma_start3A_13 = tpu.memref_squeeze %dma_start3A_12 : memref<1x8192xi32, #tpu.memory_space<hbm>> -> memref<8192xi32, #tpu.memory_space<hbm>>
      tpu.enqueue_dma source(%dma_start3A_13 : memref<8192xi32, #tpu.memory_space<hbm>>) target(%arg11 : memref<8192xi32, #tpu.memory_space<vmem>>) target_semaphore(%run_scoped3A : memref<!tpu.dma_semaphore, #tpu.memory_space<semaphore_mem>>)
      %dma_wait3A = arith.constant 0 : i32
      %dma_wait3A_14 = tpu.memref_slice %arg4[%add3A, %dma_wait3A] : memref<32x8192xi32, #tpu.memory_space<hbm>> -> memref<1x8192xi32, #tpu.memory_space<hbm>>
      %dma_wait3A_15 = tpu.memref_squeeze %dma_wait3A_14 : memref<1x8192xi32, #tpu.memory_space<hbm>> -> memref<8192xi32, #tpu.memory_space<hbm>>
      %dma_wait3A_16 = arith.constant 0 : i32
      %dma_wait3A_17 = tpu.memref_slice %arg4[%add3A, %dma_wait3A_16] : memref<32x8192xi32, #tpu.memory_space<hbm>> -> memref<1x8192xi32, #tpu.memory_space<hbm>>
      %dma_wait3A_18 = tpu.memref_squeeze %dma_wait3A_17 : memref<1x8192xi32, #tpu.memory_space<hbm>> -> memref<8192xi32, #tpu.memory_space<hbm>>
      tpu.wait_dma2 semaphore(%run_scoped3A : memref<!tpu.dma_semaphore, #tpu.memory_space<semaphore_mem>>) src(%dma_wait3A_18 : memref<8192xi32, #tpu.memory_space<hbm>>) dst(%arg11 : memref<8192xi32, #tpu.memory_space<vmem>>)
      tpu.yield
    }) : () -> ()
    "tpu.region"() ({
      %run_scoped3A = tpu.sem_alloc : memref<!tpu.dma_semaphore, #tpu.memory_space<semaphore_mem>>
      %dma_start3A = arith.constant 0 : i32
      %dma_start3A_9 = tpu.memref_slice %arg5[%add3A, %dma_start3A] : memref<32x8192xf32, #tpu.memory_space<hbm>> -> memref<1x8192xf32, #tpu.memory_space<hbm>>
      %dma_start3A_10 = tpu.memref_squeeze %dma_start3A_9 : memref<1x8192xf32, #tpu.memory_space<hbm>> -> memref<8192xf32, #tpu.memory_space<hbm>>
      %dma_start3A_11 = arith.constant 0 : i32
      %dma_start3A_12 = tpu.memref_slice %arg5[%add3A, %dma_start3A_11] : memref<32x8192xf32, #tpu.memory_space<hbm>> -> memref<1x8192xf32, #tpu.memory_space<hbm>>
      %dma_start3A_13 = tpu.memref_squeeze %dma_start3A_12 : memref<1x8192xf32, #tpu.memory_space<hbm>> -> memref<8192xf32, #tpu.memory_space<hbm>>
      tpu.enqueue_dma source(%dma_start3A_13 : memref<8192xf32, #tpu.memory_space<hbm>>) target(%arg12 : memref<8192xf32, #tpu.memory_space<vmem>>) target_semaphore(%run_scoped3A : memref<!tpu.dma_semaphore, #tpu.memory_space<semaphore_mem>>)
      %dma_wait3A = arith.constant 0 : i32
      %dma_wait3A_14 = tpu.memref_slice %arg5[%add3A, %dma_wait3A] : memref<32x8192xf32, #tpu.memory_space<hbm>> -> memref<1x8192xf32, #tpu.memory_space<hbm>>
      %dma_wait3A_15 = tpu.memref_squeeze %dma_wait3A_14 : memref<1x8192xf32, #tpu.memory_space<hbm>> -> memref<8192xf32, #tpu.memory_space<hbm>>
      %dma_wait3A_16 = arith.constant 0 : i32
      %dma_wait3A_17 = tpu.memref_slice %arg5[%add3A, %dma_wait3A_16] : memref<32x8192xf32, #tpu.memory_space<hbm>> -> memref<1x8192xf32, #tpu.memory_space<hbm>>
      %dma_wait3A_18 = tpu.memref_squeeze %dma_wait3A_17 : memref<1x8192xf32, #tpu.memory_space<hbm>> -> memref<8192xf32, #tpu.memory_space<hbm>>
      tpu.wait_dma2 semaphore(%run_scoped3A : memref<!tpu.dma_semaphore, #tpu.memory_space<semaphore_mem>>) src(%dma_wait3A_18 : memref<8192xf32, #tpu.memory_space<hbm>>) dst(%arg12 : memref<8192xf32, #tpu.memory_space<vmem>>)
      tpu.yield
    }) : () -> ()
    "tpu.region"() ({
      %run_scoped3A = tpu.sem_alloc : memref<!tpu.dma_semaphore, #tpu.memory_space<semaphore_mem>>
      %dma_start3A = arith.constant 0 : i32
      %dma_start3A_9 = tpu.memref_slice %arg6[%add3A, %dma_start3A] : memref<32x8192xf32, #tpu.memory_space<hbm>> -> memref<1x8192xf32, #tpu.memory_space<hbm>>
      %dma_start3A_10 = tpu.memref_squeeze %dma_start3A_9 : memref<1x8192xf32, #tpu.memory_space<hbm>> -> memref<8192xf32, #tpu.memory_space<hbm>>
      %dma_start3A_11 = arith.constant 0 : i32
      %dma_start3A_12 = tpu.memref_slice %arg6[%add3A, %dma_start3A_11] : memref<32x8192xf32, #tpu.memory_space<hbm>> -> memref<1x8192xf32, #tpu.memory_space<hbm>>
      %dma_start3A_13 = tpu.memref_squeeze %dma_start3A_12 : memref<1x8192xf32, #tpu.memory_space<hbm>> -> memref<8192xf32, #tpu.memory_space<hbm>>
      tpu.enqueue_dma source(%dma_start3A_13 : memref<8192xf32, #tpu.memory_space<hbm>>) target(%arg13 : memref<8192xf32, #tpu.memory_space<vmem>>) target_semaphore(%run_scoped3A : memref<!tpu.dma_semaphore, #tpu.memory_space<semaphore_mem>>)
      %dma_wait3A = arith.constant 0 : i32
      %dma_wait3A_14 = tpu.memref_slice %arg6[%add3A, %dma_wait3A] : memref<32x8192xf32, #tpu.memory_space<hbm>> -> memref<1x8192xf32, #tpu.memory_space<hbm>>
      %dma_wait3A_15 = tpu.memref_squeeze %dma_wait3A_14 : memref<1x8192xf32, #tpu.memory_space<hbm>> -> memref<8192xf32, #tpu.memory_space<hbm>>
      %dma_wait3A_16 = arith.constant 0 : i32
      %dma_wait3A_17 = tpu.memref_slice %arg6[%add3A, %dma_wait3A_16] : memref<32x8192xf32, #tpu.memory_space<hbm>> -> memref<1x8192xf32, #tpu.memory_space<hbm>>
      %dma_wait3A_18 = tpu.memref_squeeze %dma_wait3A_17 : memref<1x8192xf32, #tpu.memory_space<hbm>> -> memref<8192xf32, #tpu.memory_space<hbm>>
      tpu.wait_dma2 semaphore(%run_scoped3A : memref<!tpu.dma_semaphore, #tpu.memory_space<semaphore_mem>>) src(%dma_wait3A_18 : memref<8192xf32, #tpu.memory_space<hbm>>) dst(%arg13 : memref<8192xf32, #tpu.memory_space<vmem>>)
      tpu.yield
    }) : () -> ()
    "tpu.region"() ({
      %run_scoped3A = tpu.sem_alloc : memref<!tpu.dma_semaphore, #tpu.memory_space<semaphore_mem>>
      %dma_start3A = arith.constant 0 : i32
      %dma_start3A_9 = arith.constant 0 : i32
      %dma_start3A_10 = tpu.memref_slice %arg7[%add3A, %dma_start3A, %dma_start3A_9] : memref<32x64x128xi32, #tpu.memory_space<hbm>> -> memref<1x64x128xi32, #tpu.memory_space<hbm>>
      %dma_start3A_11 = tpu.memref_squeeze %dma_start3A_10 : memref<1x64x128xi32, #tpu.memory_space<hbm>> -> memref<64x128xi32, #tpu.memory_space<hbm>>
      %dma_start3A_12 = arith.constant 0 : i32
      %dma_start3A_13 = arith.constant 0 : i32
      %dma_start3A_14 = tpu.memref_slice %arg7[%add3A, %dma_start3A_12, %dma_start3A_13] : memref<32x64x128xi32, #tpu.memory_space<hbm>> -> memref<1x64x128xi32, #tpu.memory_space<hbm>>
      %dma_start3A_15 = tpu.memref_squeeze %dma_start3A_14 : memref<1x64x128xi32, #tpu.memory_space<hbm>> -> memref<64x128xi32, #tpu.memory_space<hbm>>
      tpu.enqueue_dma source(%dma_start3A_15 : memref<64x128xi32, #tpu.memory_space<hbm>>) target(%arg14 : memref<64x128xi32, #tpu.memory_space<vmem>>) target_semaphore(%run_scoped3A : memref<!tpu.dma_semaphore, #tpu.memory_space<semaphore_mem>>)
      %dma_wait3A = arith.constant 0 : i32
      %dma_wait3A_16 = arith.constant 0 : i32
      %dma_wait3A_17 = tpu.memref_slice %arg7[%add3A, %dma_wait3A, %dma_wait3A_16] : memref<32x64x128xi32, #tpu.memory_space<hbm>> -> memref<1x64x128xi32, #tpu.memory_space<hbm>>
      %dma_wait3A_18 = tpu.memref_squeeze %dma_wait3A_17 : memref<1x64x128xi32, #tpu.memory_space<hbm>> -> memref<64x128xi32, #tpu.memory_space<hbm>>
      %dma_wait3A_19 = arith.constant 0 : i32
      %dma_wait3A_20 = arith.constant 0 : i32
      %dma_wait3A_21 = tpu.memref_slice %arg7[%add3A, %dma_wait3A_19, %dma_wait3A_20] : memref<32x64x128xi32, #tpu.memory_space<hbm>> -> memref<1x64x128xi32, #tpu.memory_space<hbm>>
      %dma_wait3A_22 = tpu.memref_squeeze %dma_wait3A_21 : memref<1x64x128xi32, #tpu.memory_space<hbm>> -> memref<64x128xi32, #tpu.memory_space<hbm>>
      tpu.wait_dma2 semaphore(%run_scoped3A : memref<!tpu.dma_semaphore, #tpu.memory_space<semaphore_mem>>) src(%dma_wait3A_22 : memref<64x128xi32, #tpu.memory_space<hbm>>) dst(%arg14 : memref<64x128xi32, #tpu.memory_space<vmem>>)
      tpu.yield
    }) : () -> ()
    %get3A = arith.constant 0 : index
    %get3A_1 = tpu.vector_load %arg9[%get3A] {strides = array<i32>} : memref<16xi32, #tpu.memory_space<vmem>>, vector<16xi32>,
    %slice3A = vector.extract_strided_slice %get3A_1 {offsets = [0], sizes = [1], strides = [1]} : vector<16xi32> to vector<1xi32>
    %squeeze3A = vector.extract %slice3A[0] : i32 from vector<1xi32>
    %mul3A_2 = arith.constant 512 : i32
    %mul3A_3 = arith.muli %squeeze3A, %mul3A_2 : i32
    %scan3A = arith.constant 0 : i32
    %scan3A_4 = arith.constant 0 : i32
    %scan3A_5 = arith.constant 8 : i32
    %scan3A_6 = arith.addi %scan3A_4, %scan3A_5 : i32
    %scan3A_7 = arith.constant 1 : i32
    scf.for %scan3A_9 = %scan3A_4 to %scan3A_6 step %scan3A_7  : i32 {
      %mul3A_10 = arith.constant 262144 : i32
      %mul3A_11 = arith.muli %scan3A_9, %mul3A_10 : i32
      %add3A_12 = arith.addi %mul3A_11, %mul3A_3 : i32
      %dma_start3A = tpu.memref_slice %arg2[%add3A_12] : memref<2097152xf32, #tpu.memory_space<hbm>> -> memref<16384xf32, #tpu.memory_space<hbm>>
      %dma_start3A_13 = tpu.memref_slice %arg2[%add3A_12] : memref<2097152xf32, #tpu.memory_space<hbm>> -> memref<16384xf32, #tpu.memory_space<hbm>>
      tpu.enqueue_dma source(%dma_start3A_13 : memref<16384xf32, #tpu.memory_space<hbm>>) target(%arg10 : memref<16384xf32, #tpu.memory_space<vmem>>) target_semaphore(%arg16 : memref<!tpu.dma_semaphore, #tpu.memory_space<semaphore_mem>>)
      %dma_wait3A = tpu.memref_slice %arg2[%add3A_12] : memref<2097152xf32, #tpu.memory_space<hbm>> -> memref<16384xf32, #tpu.memory_space<hbm>>
      %dma_wait3A_14 = tpu.memref_slice %arg2[%add3A_12] : memref<2097152xf32, #tpu.memory_space<hbm>> -> memref<16384xf32, #tpu.memory_space<hbm>>
      tpu.wait_dma2 semaphore(%arg16 : memref<!tpu.dma_semaphore, #tpu.memory_space<semaphore_mem>>) src(%dma_wait3A_14 : memref<16384xf32, #tpu.memory_space<hbm>>) dst(%arg10 : memref<16384xf32, #tpu.memory_space<vmem>>)
      %scan3A_15 = arith.constant 0 : i32
      %scan3A_16 = arith.constant 0 : i32
      %scan3A_17 = arith.constant 512 : i32
      %scan3A_18 = arith.addi %scan3A_16, %scan3A_17 : i32
      %scan3A_19 = arith.constant 1 : i32
      scf.for %scan3A_27 = %scan3A_16 to %scan3A_18 step %scan3A_19  : i32 {
        %mul3A_28 = arith.constant 16 : i32
        %mul3A_29 = arith.muli %scan3A_27, %mul3A_28 : i32
        %get3A_30 = arith.index_cast %mul3A_29 : i32 to index
        %get3A_31 = tpu.vector_load %arg11[%get3A_30] {strides = array<i32>} : memref<8192xi32, #tpu.memory_space<vmem>>, vector<16xi32>,
        %gather3A = tpu.vector_load_idx %arg10[%get3A_31] : memref<16384xf32, #tpu.memory_space<vmem>>[vector<16xi32>], vector<16xf32>,
        %add3A_32 = arith.constant 1 : i32
        %add3A_33 = vector.broadcast %add3A_32 : i32 to vector<16xi32>
        %add3A_34 = arith.addi %get3A_31, %add3A_33 : vector<16xi32>
        %gather3A_35 = tpu.vector_load_idx %arg10[%add3A_34] : memref<16384xf32, #tpu.memory_space<vmem>>[vector<16xi32>], vector<16xf32>,
        %add3A_36 = arith.constant 512 : i32
        %add3A_37 = vector.broadcast %add3A_36 : i32 to vector<16xi32>
        %add3A_38 = arith.addi %get3A_31, %add3A_37 : vector<16xi32>
        %gather3A_39 = tpu.vector_load_idx %arg10[%add3A_38] : memref<16384xf32, #tpu.memory_space<vmem>>[vector<16xi32>], vector<16xf32>,
        %add3A_40 = arith.constant 513 : i32
        %add3A_41 = vector.broadcast %add3A_40 : i32 to vector<16xi32>
        %add3A_42 = arith.addi %get3A_31, %add3A_41 : vector<16xi32>
        %gather3A_43 = tpu.vector_load_idx %arg10[%add3A_42] : memref<16384xf32, #tpu.memory_space<vmem>>[vector<16xi32>], vector<16xf32>,
        %get3A_44 = arith.index_cast %mul3A_29 : i32 to index
        %get3A_45 = tpu.vector_load %arg12[%get3A_44] {strides = array<i32>} : memref<8192xf32, #tpu.memory_space<vmem>>, vector<16xf32>,
        %get3A_46 = arith.index_cast %mul3A_29 : i32 to index
        %get3A_47 = tpu.vector_load %arg13[%get3A_46] {strides = array<i32>} : memref<8192xf32, #tpu.memory_space<vmem>>, vector<16xf32>,
        %sub3A = arith.subf %gather3A_35, %gather3A : vector<16xf32>
        %mul3A_48 = arith.mulf %get3A_45, %sub3A : vector<16xf32>
        %add3A_49 = arith.addf %gather3A, %mul3A_48 : vector<16xf32>
        %sub3A_50 = arith.subf %gather3A_43, %gather3A_39 : vector<16xf32>
        %mul3A_51 = arith.mulf %get3A_45, %sub3A_50 : vector<16xf32>
        %add3A_52 = arith.addf %gather3A_39, %mul3A_51 : vector<16xf32>
        %sub3A_53 = arith.subf %add3A_52, %add3A_49 : vector<16xf32>
        %mul3A_54 = arith.mulf %get3A_47, %sub3A_53 : vector<16xf32>
        %add3A_55 = arith.addf %add3A_49, %mul3A_54 : vector<16xf32>
        %mul3A_56 = arith.constant 16 : i32
        %mul3A_57 = arith.muli %scan3A_27, %mul3A_56 : i32
        %iota3A = tpu.iota {dimensions = array<i32: 0>} : vector<16xi32>
        %add3A_58 = vector.broadcast %mul3A_57 : i32 to vector<16xi32>
        %add3A_59 = arith.addi %add3A_58, %iota3A : vector<16xi32>
        %mul3A_60 = arith.constant 0 : i32
        %mul3A_61 = vector.broadcast %mul3A_60 : i32 to vector<16xi32>
        %mul3A_62 = arith.muli %add3A_59, %mul3A_61 : vector<16xi32>
        tpu.vector_store_idx %arg15[%add3A_59, %mul3A_62], %add3A_55 : memref<8192x1xf32, #tpu.memory_space<vmem>>[vector<16xi32>, vector<16xi32>], vector<16xf32>,
      }
      %scan3A_20 = arith.constant 512 : i32
      %scan3A_21 = arith.constant 0 : i32
      %scan3A_22 = arith.constant 0 : i32
      %scan3A_23 = arith.constant 64 : i32
      %scan3A_24 = arith.addi %scan3A_22, %scan3A_23 : i32
      %scan3A_25 = arith.constant 1 : i32
      scf.for %scan3A_27 = %scan3A_22 to %scan3A_24 step %scan3A_25  : i32 {
        %mul3A_28 = arith.constant 128 : i32
        %mul3A_29 = arith.muli %scan3A_27, %mul3A_28 : i32
        %dma_start3A_30 = arith.constant 0 : i32
        %dma_start3A_31 = tpu.memref_slice %arg15[%mul3A_29, %dma_start3A_30] : memref<8192x1xf32, #tpu.memory_space<vmem>> -> memref<128x1xf32, #tpu.memory_space<vmem>>
        %dma_start3A_32 = arith.constant 0 : i32
        %dma_start3A_33 = tpu.memref_slice %arg14[%scan3A_27, %dma_start3A_32] : memref<64x128xi32, #tpu.memory_space<vmem>> -> memref<1x128xi32, #tpu.memory_space<vmem>>
        %dma_start3A_34 = tpu.memref_squeeze %dma_start3A_33 : memref<1x128xi32, #tpu.memory_space<vmem>> -> memref<128xi32, #tpu.memory_space<vmem>>
        %dma_start3A_35 = arith.constant 0 : i32
        %dma_start3A_36 = arith.constant 0 : i32
        %dma_start3A_37 = tpu.memref_slice %arg8[%scan3A_9, %dma_start3A_35, %dma_start3A_36] : memref<8x262144x1xf32, #tpu.memory_space<hbm>> -> memref<1x262144x1xf32, #tpu.memory_space<hbm>>
        %dma_start3A_38 = tpu.memref_squeeze %dma_start3A_37 : memref<1x262144x1xf32, #tpu.memory_space<hbm>> -> memref<262144x1xf32, #tpu.memory_space<hbm>>
        %dma_start3A_39 = arith.constant 0 : i32
        %dma_start3A_40 = arith.constant 0 : i32
        %dma_start3A_41 = tpu.memref_slice %dma_start3A_38[%dma_start3A_39, %dma_start3A_40] : memref<262144x1xf32, #tpu.memory_space<hbm>> -> memref<262144x1xf32, #tpu.memory_space<hbm>>
        tpu.enqueue_indirect_dma source(%dma_start3A_31 : memref<128x1xf32, #tpu.memory_space<vmem>>) target(%dma_start3A_41 : memref<262144x1xf32, #tpu.memory_space<hbm>>) offsets(%dma_start3A_34 : memref<128xi32, #tpu.memory_space<vmem>>) semaphore(%arg16 : memref<!tpu.dma_semaphore, #tpu.memory_space<semaphore_mem>>)
        %dma_wait3A_42 = arith.constant 0 : i32
        %dma_wait3A_43 = tpu.memref_slice %arg15[%mul3A_29, %dma_wait3A_42] : memref<8192x1xf32, #tpu.memory_space<vmem>> -> memref<128x1xf32, #tpu.memory_space<vmem>>
        %dma_wait3A_44 = arith.constant 0 : i32
        %dma_wait3A_45 = tpu.memref_slice %arg14[%scan3A_27, %dma_wait3A_44] : memref<64x128xi32, #tpu.memory_space<vmem>> -> memref<1x128xi32, #tpu.memory_space<vmem>>
        %dma_wait3A_46 = tpu.memref_squeeze %dma_wait3A_45 : memref<1x128xi32, #tpu.memory_space<vmem>> -> memref<128xi32, #tpu.memory_space<vmem>>
        %dma_wait3A_47 = arith.constant 0 : i32
        %dma_wait3A_48 = arith.constant 0 : i32
        %dma_wait3A_49 = tpu.memref_slice %arg8[%scan3A_9, %dma_wait3A_47, %dma_wait3A_48] : memref<8x262144x1xf32, #tpu.memory_space<hbm>> -> memref<1x262144x1xf32, #tpu.memory_space<hbm>>
        %dma_wait3A_50 = tpu.memref_squeeze %dma_wait3A_49 : memref<1x262144x1xf32, #tpu.memory_space<hbm>> -> memref<262144x1xf32, #tpu.memory_space<hbm>>
        %dma_wait3A_51 = arith.constant 0 : i32
        %dma_wait3A_52 = arith.constant 0 : i32
        %dma_wait3A_53 = tpu.memref_slice %dma_wait3A_50[%dma_wait3A_51, %dma_wait3A_52] : memref<262144x1xf32, #tpu.memory_space<hbm>> -> memref<262144x1xf32, #tpu.memory_space<hbm>>
        tpu.wait_indirect_dma semaphore(%arg16 : memref<!tpu.dma_semaphore, #tpu.memory_space<semaphore_mem>>) src(%dma_wait3A_43 : memref<128x1xf32, #tpu.memory_space<vmem>>) dst(%dma_wait3A_53 : memref<262144x1xf32, #tpu.memory_space<hbm>>)
      }
      %scan3A_26 = arith.constant 64 : i32
    }
    %scan3A_8 = arith.constant 8 : i32
    return
  }
}

</mosaic_0001>

<sc_bundles>
// kernel: kernel.3.cloned.1.call-start
scs
__scs_entry_jumppad:
0x0: {  	(pc) =	sbr.rel $0x88, $3  }
0x1: {  	(tag) =	ssettag $0x0;
	lr =	simm.s32 $0x1  }
0x2: {  	[smem:$0x3FA0] =	sst lr;
	_ =	strace $0xD0000000  }
0x3: {  	_ = 	snop  }
0x4: {  	_ = 	snop  }
0x5: {  	_ = 	snop  }
0x6: {  	_ = 	snop  }
0x7: {  	_ = 	snop  }
__scs_overlays_trampoline_lowered:
0x8: {  	[smem:$0x3FAF] =	sst s0  }
0x9: {  	[smem:$0x3FB0] =	sst s1  }
0xa: {  	[smem:$0x3FB1] =	sst s2  }
0xb: {  	[smem:$0x3FB2] =	sst s3  }
0xc: {  	[smem:$0x3FB3] =	sst s4  }
0xd: {  	[smem:$0x3FB4] =	sst s5  }
0xe: {  	[smem:$0x3FB5] =	sst s6  }
0xf: {  	[smem:$0x3FB6] =	sst s7  }
0x10: {  	[smem:$0x3FB7] =	sst s8  }
0x11: {  	[smem:$0x3FB8] =	sst s9;
	s0 =	simm.s32 @!p0 $0x0  }
0x12: {  	s1 =	sld [smem:$0x3F9E];
	s0 =	simm.s32 @p0 $0x1  }
0x13: {  	[smem:$0x3FB9] =	sst s0;
	s0 =	simm.s32 @!p1 $0x0  }
0x14: {  	s2 =	sld [smem:$0x3F9D];
	s0 =	simm.s32 @p1 $0x1  }
0x15: {  	[smem:$0x3FBA] =	sst s0;
	s0 =	simm.s32 @!p2 $0x0  }
0x16: {  	s3 =	sld [smem:$0x3FDB];
	s0 =	simm.s32 @p2 $0x1  }
0x17: {  	s4 =	simm.s32 $0x1BF5;
	[smem:$0x3FBC] =	sst s0  }
0x18: {  	s0 =	sld [smem:$0x3F9F];
	_ =	swait.ge [sflag:s4], $0x0  }
0x19: {  	s7 =	sld [smem:$0x3FA0]  }
0x1a: {  	s8 =	sadd.s32 $0xFFFFE003, lr  }
0x1b: {  	s9 =	sadd.s32 $0xFFFFFEF7, lr;
	s5 =	simm.s32 $0xFFFFFFFF;
	p2 =	slt.u32 s8, $0xFFFFF086  }
0x1c: {  	p1 =	slt.u32 s9, $0xF7A;
	s5 =	simm.s32 @!p2 $0x0  }
0x1d: {  	s5 =	simm.s32 @p1 $0x1;
	p0 =	seq.s32 s7, s2  }
0x1e: {  	s7 =	smul.u32 @!p0 $0xF7A, s2;
	p2 =	seq.s32 @!p0 s5, $0x0  }
0x1f: {  	s9 =	smul.u32 $0xF7A, s1;
	s8 =	simm.s32 @!p0 $0x1BF5;
	p2 =	por !p2, p0  }
0x20: {  	[sflag:s8] =	ssyncset.s32 @!p0 $0xFFFFF086;
	s6 =	sadd.s32 @!p0 s3, s7;
	s7 =	simm.s32 @!p0 $0x108  }
0x21: {  	s3 =	sadd.s32 s3, s9;
	s6 =	sadd.s32 @!p0 $0x88, s6;
	s7 =	simm.s32 @p2 $0x1082  }
0x22: {  	[simem:s7], [sflag:s8] =	dma.local @!p0 [hbm:s6], $0xF7A  }
0x23: {  	s9 =	sor.u32 $0xD0000000, s2;
	s6 =	simm.s32 $0x108;
	_ =	swait.ge @!p0 [sflag:s8], $0x0  }
0x24: {  	s3 =	sadd.s32 $0x88, s3;
	s6 =	simm.s32 @!p1 $0x1082;
	[sflag:s4] =	ssyncset.s32 $0xFFFFF086  }
0x25: {  	[simem:s6], [sflag:s4] =	dma.local [hbm:s3], $0xF7A  }
0x26: {  	[smem:$0x3FA0] =	sst s1;
	(tag) =	ssettag s2;
	_ =	strace s9  }
0x27: {  	s1 =	sld [smem:$0x3FB0]  }
0x28: {  	s2 =	sld [smem:$0x3FB1]  }
0x29: {  	s4 =	sld [smem:$0x3FB3]  }
0x2a: {  	p0 =	seq.s32 s5, $0x0;
	s5 =	sld [smem:$0x3FB4]  }
0x2b: {  	s6 =	sld [smem:$0x3FB5]  }
0x2c: {  	s7 =	sld [smem:$0x3FB6]  }
0x2d: {  	s3 =	simm.s32 $0x108;
	s8 =	sld [smem:$0x3FB7]  }
0x2e: {  	s3 =	simm.s32 @!p0 $0x1082;
	s9 =	sld [smem:$0x3FB8]  }
0x2f: {  	lr =	sadd.s32 s0, s3;
	s0 =	sld [smem:$0x3FAF]  }
0x30: {  	s3 =	sld [smem:$0x3FB2]  }
0x31: {  	[smem:$0x3FBB] =	sst s10  }
0x32: {  	s10 =	sld [smem:$0x3FB9];
	_ =	sdelay $0x3  }
0x33: {  	p0 =	seq.s32 s10, $0x1;
	s10 =	sld [smem:$0x3FBB];
	_ =	sdelay $0x3  }
0x34: {  	[smem:$0x3FBB] =	sst s10  }
0x35: {  	s10 =	sld [smem:$0x3FBA];
	_ =	sdelay $0x3  }
0x36: {  	p1 =	seq.s32 s10, $0x1;
	s10 =	sld [smem:$0x3FBB];
	_ =	sdelay $0x3  }
0x37: {  	[smem:$0x3FBB] =	sst s10  }
0x38: {  	s10 =	sld [smem:$0x3FBC]  }
0x39: {  	_ = 	snop;
	(pc) =	sbr.ind lr, $3  }
0x3a: {  	_ = 	snop  }
0x3b: {  	_ = 	snop  }
0x3c: {  	p2 =	seq.s32 s10, $0x1;
	s10 =	sld [smem:$0x3FBB]  }
0x3d: {  	_ =	shalt  }
0x3e: {  	_ =	shalt  }
0x3f: {  	_ =	shalt  }
0x40: {  	_ =	shalt  }
0x41: {  	_ =	shalt  }
0x42: {  	_ =	shalt  }
0x43: {  	_ =	shalt  }
0x44: {  	_ =	shalt  }
0x45: {  	_ =	shalt  }
0x46: {  	_ =	shalt  }
0x47: {  	_ =	shalt  }
0x48: {  	_ =	shalt  }
0x49: {  	_ =	shalt  }
0x4a: {  	_ =	shalt  }
0x4b: {  	_ =	shalt  }
0x4c: {  	_ =	shalt  }
0x4d: {  	_ =	shalt  }
0x4e: {  	_ =	shalt  }
0x4f: {  	_ =	shalt  }
0x50: {  	_ =	shalt  }
0x51: {  	_ =	shalt  }
0x52: {  	_ =	shalt  }
0x53: {  	_ =	shalt  }
0x54: {  	_ =	shalt  }
0x55: {  	_ =	shalt  }
0x56: {  	_ =	shalt  }
0x57: {  	_ =	shalt  }
0x58: {  	_ =	shalt  }
0x59: {  	_ =	shalt  }
0x5a: {  	_ =	shalt  }
0x5b: {  	_ =	shalt  }
0x5c: {  	_ =	shalt  }
0x5d: {  	_ =	shalt  }
0x5e: {  	_ =	shalt  }
0x5f: {  	_ =	shalt  }
0x60: {  	_ =	shalt  }
0x61: {  	_ =	shalt  }
0x62: {  	_ =	shalt  }
0x63: {  	_ =	shalt  }
0x64: {  	_ =	shalt  }
0x65: {  	_ =	shalt  }
0x66: {  	_ =	shalt  }
0x67: {  	_ =	shalt  }
0x68: {  	_ =	shalt  }
0x69: {  	_ =	shalt  }
0x6a: {  	_ =	shalt  }
0x6b: {  	_ =	shalt  }
0x6c: {  	_ =	shalt  }
0x6d: {  	_ =	shalt  }
0x6e: {  	_ =	shalt  }
0x6f: {  	_ =	shalt  }
0x70: {  	_ =	shalt  }
0x71: {  	_ =	shalt  }
0x72: {  	_ =	shalt  }
0x73: {  	_ =	shalt  }
0x74: {  	_ =	shalt  }
0x75: {  	_ =	shalt  }
0x76: {  	_ =	shalt  }
0x77: {  	_ =	shalt  }
0x78: {  	_ =	shalt  }
0x79: {  	_ =	shalt  }
0x7a: {  	_ =	shalt  }
0x7b: {  	_ =	shalt  }
0x7c: {  	_ =	shalt  }
0x7d: {  	_ =	shalt  }
0x7e: {  	_ =	shalt  }
0x7f: {  	_ =	shalt  }
0x80: {  	_ =	shalt  }
0x81: {  	_ =	shalt  }
0x82: {  	_ =	shalt  }
0x83: {  	_ =	shalt  }
0x84: {  	_ =	shalt  }
0x85: {  	_ =	shalt  }
0x86: {  	_ =	shalt  }
0x87: {  	_ =	shalt  }
.Lfunc_end0:
.L_simem_size_0:
called_computation_lowered:
.L_overlay_start_0:
0x88: {  	s2 =	sld [smem:$0x3FD9]  }
0x89: {  	s3 =	sld [smem:$0x3FFE];
	_ =	sdelay $0x1  }
0x8a: {  	s1 =	srdreg.scid  }
0x8b: {  	s0 =	sand.u32 $0x1, s1  }
0x8c: {  	s17 =	sshll.u32 s0, $0xA;
	s2 =	sadd.s32 s3, s2  }
0x8d: {  	s2 =	sadd.s32 s2, s17  }
0x8e: {  	[smem:$0x3FC7] =	sst s2  }
0x8f: {  	_ = 	snop  }
0x90: {  	s2 =	sld [smem:$0x3FC9]  }
0x91: {  	s18 =	sld [smem:$0x3FD0];
	(tm) =	ssettm $0x1  }
0x92: {  	s4 =	sld [smem:$0x3FFB];
	_ =	sdelay $0x3  }
0x93: {  	_ =	strace s4  }
0x94: {  	s4 =	sld [smem:$0x3FFC];
	_ =	sdelay $0x3  }
0x95: {  	_ =	strace s4  }
0x96: {  	s4 =	sld [smem:$0x3FFD];
	_ =	sdelay $0x3  }
0x97: {  	_ =	strace s4  }
0x98: {  	_ =	strace $0x8FFFFFFF  }
0x99: {  	s19 =	sld [smem:$0x3FDB];
	_ =	sdelay $0x1  }
0x9a: {  	s5 =	simm.s32 $_scs_section_size  }
0x9b: {  	s6 =	simm.s32 $_size__tile_overlayer_lowered;
	s7 =	simm.s32 $_tile_overlayer_lowered  }
0x9c: {  	s22 =	simm.s32 $0x1BFF;
	s21 =	sshll.u32 s7, $0x1;
	s4 =	sadd.s32 s5, s19  }
0x9d: {  	s8 =	simm.s32 $0x0;
	s20 =	sshll.u32 s6, $0x1;
	s6 =	sadd.s32 s21, s4  }
0x9e: {  	[timem:s8], [sflag:s22] =	dma.local [hbm:s6], s20  }
0x9f: {  	_ =	swait.ge [sflag:s22], s20  }
0xa0: {  	s5 =	ssub.s32 $0x0, s20;
	[sflag:s22] =	ssyncset.done $0x0  }
0xa1: {  	[sflag:s22] =	ssyncadd.s32 s5;
	_ =	sdelay $0x1  }
0xa2: {  	s23 =	simm.s32 $0x1B8B  }
0xa3: {  	_ =	swait.ge [sflag:s23], $0x1  }
0xa4: {  	[sflag:s23] =	ssyncset.done $0x0  }
0xa5: {  	s25 =	simm.s32 $0x1B8E;
	s24 =	sld [smem:$0x3FFE];
	[sflag:s23] =	ssyncadd.s32 $0xFFFFFFFF  }
0xa6: {  	s26 =	simm.s32 $execute0_lowered;
	[smem:$0x3FD2] =	sst s25  }
0xa7: {  	s6 =	sshll.u32 s26, $0x1;
	_ =	strace $0x80000046;
	[dreg:$0x1] =	wrdreg $0xFFFFFFFF  }
0xa8: {  	s28 =	simm.s32 $_size_execute0_lowered;
	s4 =	sadd.s32 s4, s6;
	[dreg:$0x0] =	wrdreg $0x0  }
0xa9: {  	s6 =	sshll.u32 s28, $0x1;
	[dreg:$0x2] =	wrdreg s4  }
0xaa: {  	[dreg:$0x3] =	wrdreg s6  }
0xab: {  	[dreg:$0x4] =	wrdreg $0xC0  }
0xac: {  	_ =	task [dreg:s8], $0x5FFFF  }
0xad: {  	[dreg:$0x1] =	wrdreg $0xFFFFFFFF  }
0xae: {  	[dreg:$0x0] =	wrdreg $0x60  }
0xaf: {  	[dreg:$0x2] =	wrdreg s2  }
0xb0: {  	[dreg:$0x3] =	wrdreg s24  }
0xb1: {  	[dreg:$0x4] =	wrdreg s18  }
0xb2: {  	[dreg:$0x5] =	wrdreg $0x9  }
0xb3: {  	_ =	task.clear_ibuf [dreg:s8], $0x6FFFF;
	_ =	strace $0x90000046  }
0xb4: {  	s29 =	simm.s32 $0x9;
	_ =	strace $0x80000048  }
0xb5: {  	_ =	swait.ge [sflag:s29], $0x1  }
0xb6: {  	[sflag:s29] =	ssyncadd.s32 $0xFFFFFFFF  }
0xb7: {  	_ =	strace $0x90000048  }
0xb8: {  	_ =	sfence  }
0xb9: {  	s30 =	sld [smem:$0x0];
	_ =	sdelay $0x2  }
0xba: {  	s31 =	sshll.u32 s1, $0xD;
	s1 =	sshrl.u32 s1, $0x2  }
0xbb: {  	s3 =	sand.u32 $0x4000, s31;
	s1 =	sadd.s32 s1, s30  }
0xbc: {  	s0 =	sor.u32 s3, s0;
	s1 =	sshll.u32 s1, $0x11  }
0xbd: {  	s0 =	sor.u32 s1, s0  }
0xbe: {  	s0 =	sadd.s32 $0x8F2B, s0  }
0xbf: {  	[sflag:s0] =	ssyncadd.remote.s32 $0x1  }
0xc0: {  	_ =	sfence.sel $0xFFFF  }
0xc1: {  	[dreg:$0x0] =	wrdreg $0xFFFFFFFF;
	(pc) =	sbr.abs _section_cstart, $3  }
0xc2: {  	[dreg:$0x1] =	wrdreg $0xFFFFFFFF  }
0xc3: {  	_ =	task.clear_ibuf [dreg:s8], $0x2FFFF;
	_ =	strace $0x9FFFFFFF  }
0xc4: {  	(tm) =	ssettm $0x7FFFFFFF  }
0xc5: {  	_ =	shalt  }
tec
execute0_lowered:
.L_overlay_start_1:
0x0: {  	(tag) =	ssettag $0x1  }
0x1: {  	s1 =	rddreg [dreg:$0x0]  }
0x2: {  	s5 =	rddreg [dreg:$0x1]  }
0x3: {  	s6 =	rddreg [dreg:$0x2]  }
0x4: {  	s0 =	rddreg [dreg:$0x3];
	s4 =	srdreg.scid  }
0x5: {  	s2 =	stileid.u32;
	s3 =	simm.s32 $0x0;
	s12 =	simm.s32 $0x4010  }
0x6: {  	s13 =	simm.s32 $0x6010;
	s14 =	simm.s32 $0x8010;
	s15 =	simm.s32 $0xA010  }
0x7: {  	s16 =	simm.s32 $0x10;
	s17 =	simm.s32 $0x1;
	s18 =	simm.s32 $0xC010  }
0x8: {  	s19 =	simm.s32 $0x80;
	s4 =	sand.u32 $0x1, s4;
	s7 =	sshll.u32 s2, $0x1  }
0x9: {  	s20 =	simm.s32 $0x0;
	[smem:$0x7FF] =	sst s3;
	s7 =	sor.u32 s4, s7  }
0xa: {  	_ =	strace $0x80000047;
	s9 =	ssub.s32 $0x2, s4;
	s4 =	sadd.s32 $0x18200, s5  }
0xb: {  	s8 =	sshll.u32 s7, $0xA;
	s11 =	sshrl.u32 s9, $0x1;
	s7 =	sshll.u32 s7, $0x1  }
0xc: {  	s10 =	sadd.s32 s8, s5;
	s11 =	ssub.s32 s9, s11;
	s5 =	sadd.s32 s5, s7  }
0xd: {  	v0 =	vlaneseq.u32;
	s6 =	sadd.s32 s6, s8;
	s7 =	sadd.s32 $0x200, s10;
	s8 =	sadd.s32 $0x8200, s10  }
0xe: {  	v0 =	vmul.u32 $0x8, v0;
	s9 =	sadd.s32 $0x10200, s10;
	s10 =	smax.u32 s11, $0x1;
	s11 =	simm.s32 $0x2  }
.LBB2_1:
0xf: {  	[tilespmem:s3], [sflag:$0x2] =	stream.linear.gather [hbm4b:s5+s3], $0x10, $0x38;
	[tilespmem:$0x1C010] =	vst v63  }
0x10: {  	_ =	swait.ge [sflag:s11], $0x10  }
0x11: {  	[sflag:s11] =	ssyncset.done $0x0  }
0x12: {  	[sflag:s11] =	ssyncadd.s32 $0xFFFFFFF0  }
0x13: {  	[tilespmem:s12], [sflag:$0x2] =	stream.linear.gather [hbm4b:s6+s3], $0x2000, $0x38;
	[tilespmem:$0x1C010] =	vst v63  }
0x14: {  	_ =	swait.ge [sflag:s11], $0x2000  }
0x15: {  	[sflag:s11] =	ssyncset.done $0x0  }
0x16: {  	[sflag:s11] =	ssyncadd.s32 $0xFFFFE000  }
0x17: {  	[tilespmem:s13], [sflag:$0x2] =	stream.linear.gather [hbm4b:s7+s3], $0x2000, $0x38;
	[tilespmem:$0x1C010] =	vst v63  }
0x18: {  	_ =	swait.ge [sflag:s11], $0x2000  }
0x19: {  	[sflag:s11] =	ssyncset.done $0x0  }
0x1a: {  	[sflag:s11] =	ssyncadd.s32 $0xFFFFE000  }
0x1b: {  	[tilespmem:s14], [sflag:$0x2] =	stream.linear.gather [hbm4b:s8+s3], $0x2000, $0x38;
	[tilespmem:$0x1C010] =	vst v63  }
0x1c: {  	_ =	swait.ge [sflag:s11], $0x2000  }
0x1d: {  	[sflag:s11] =	ssyncset.done $0x0  }
0x1e: {  	[sflag:s11] =	ssyncadd.s32 $0xFFFFE000  }
0x1f: {  	[tilespmem:s15], [sflag:$0x2] =	stream.linear.gather [hbm4b:s9+s3], $0x2000, $0x38;
	[tilespmem:$0x1C010] =	vst v63  }
0x20: {  	_ =	swait.ge [sflag:s11], $0x2000  }
0x21: {  	[sflag:s11] =	ssyncset.done $0x0  }
0x22: {  	[sflag:s11] =	ssyncadd.s32 $0xFFFFE000  }
0x23: {  	v1 =	vld [tilespmem:$0x0];
	_ =	sdelay $0x4  }
0x24: {  	(v2sf) =	vpush v1, $0x0;
	_ =	sdelay $0xe  }
0x25: {  	s21 =	spop (v2sf)  }
0x26: {  	s22 =	simm.s32 $0x0;
	s21 =	sshll.u32 s21, $0x9  }
.LBB2_2:
0x27: {  	s23 =	sshll.u32 s22, $0x12  }
0x28: {  	s24 =	sadd.s32 s21, s23  }
0x29: {  	s24 =	sshrl.u32 s24, $0x3  }
0x2a: {  	s26 =	simm.s32 $0x0;
	s24 =	sadd.s32 s1, s24  }
0x2b: {  	[tilespmem:s16], [sflag:$0x1] =	stream.linear.gather [hbm4b:s24+s26], $0x4000, $0x38;
	[tilespmem:$0x1C010] =	vst v63  }
0x2c: {  	_ =	swait.ge [sflag:s17], $0x4000  }
0x2d: {  	[sflag:s17] =	ssyncset.done $0x0  }
0x2e: {  	s28 =	simm.s32 $0x4010;
	[sflag:s17] =	ssyncadd.s32 $0xFFFFC000  }
0x2f: {  	v1 =	vld [tilespmem:s28+$0x0];
	_ =	sdelay $0x4  }
0x30: {  	v2 =	vadd.s32 $0x1, v1  }
0x31: {  	v3 =	vadd.s32 $0x200, v1  }
0x32: {  	v4 =	vadd.s32 $0x201, v1;
	_ =	sdelay $0x1  }
0x33: {  	v1 =	vld.idx.msk [tilespmem:v1+s16+$0x0], $0xffff  }
0x34: {  	v2 =	vld.idx.msk [tilespmem:v2+s16+$0x0], $0xffff  }
0x35: {  	v3 =	vld.idx.msk [tilespmem:v3+s16+$0x0], $0xffff  }
0x36: {  	v4 =	vld.idx.msk [tilespmem:v4+s16+$0x0], $0xffff  }
0x37: {  	s25 =	simm.s32 $0x6010  }
0x38: {  	v5 =	vld [tilespmem:s25+$0x0];
	_ =	sdelay $0x2  }
0x39: {  	v2 =	vsub.f32 v2, v1;
	v4 =	vsub.f32 v4, v3;
	_ =	sdelay $0x1  }
0x3a: {  	s24 =	simm.s32 $0x8010;
	v2 =	vmul.f32 v5, v2;
	v4 =	vmul.f32 v4, v5  }
0x3b: {  	v63 =	vld [tilespmem:s24+$0x0]  }
0x3c: {  	v1 =	vadd.f32 v2, v1;
	v2 =	vadd.f32 v4, v3  }
0x3d: {  	v3 =	vmov s26  }
0x3e: {  	v3 =	vshll.u32 v3, $0x3;
	v2 =	vsub.f32 v2, v1  }
0x3f: {  	v3 =	vor.u32 v0, v3  }
0x40: {  	v2 =	vmul.f32 v2, v63;
	_ =	sdelay $0x1  }
0x41: {  	v1 =	vadd.f32 v2, v1;
	_ =	sdelay $0x1  }
0x42: {  	s28 =	simm.s32 $0x4020;
	[tilespmem:v3+s18+$0x0] =	vst.idx.msk $0xffff, v1  }
0x43: {  	v1 =	vld [tilespmem:s28+$0x0];
	_ =	sdelay $0x1  }
0x44: {  	s29 =	simm.s32 $0x20;
	s26 =	simm.s32 $0x10  }
.LBB2_3:
0x45: {  	p0 =	seq.s32 s29, $0x1FF0;
	_ =	sdelay $0x1  }
0x46: {  	v2 =	vadd.s32 $0x1, v1  }
0x47: {  	v3 =	vadd.s32 $0x200, v1  }
0x48: {  	v4 =	vadd.s32 $0x201, v1;
	_ =	sdelay $0x1  }
0x49: {  	v1 =	vld.idx.msk [tilespmem:v1+s16+$0x0], $0xffff  }
0x4a: {  	v2 =	vld.idx.msk [tilespmem:v2+s16+$0x0], $0xffff  }
0x4b: {  	v3 =	vld.idx.msk [tilespmem:v3+s16+$0x0], $0xffff  }
0x4c: {  	v4 =	vld.idx.msk [tilespmem:v4+s16+$0x0], $0xffff;
	_ =	sdelay $0x1  }
0x4d: {  	s25 =	sadd.s32 $0x10, s25  }
0x4e: {  	v5 =	vld [tilespmem:s25+$0x0];
	_ =	sdelay $0x2  }
0x4f: {  	v2 =	vsub.f32 v2, v1;
	v4 =	vsub.f32 v4, v3;
	_ =	sdelay $0x1  }
0x50: {  	s24 =	sadd.s32 $0x10, s24;
	v2 =	vmul.f32 v5, v2;
	v4 =	vmul.f32 v4, v5  }
0x51: {  	v5 =	vld [tilespmem:s24+$0x0]  }
0x52: {  	v1 =	vadd.f32 v2, v1;
	v2 =	vadd.f32 v4, v3  }
0x53: {  	v3 =	vmov s26;
	s26 =	smov.u32 s29  }
0x54: {  	v3 =	vshll.u32 v3, $0x3;
	v2 =	vsub.f32 v2, v1  }
0x55: {  	v3 =	vor.u32 v0, v3  }
0x56: {  	v2 =	vmul.f32 v2, v5;
	_ =	sdelay $0x1  }
0x57: {  	v1 =	vadd.f32 v2, v1  }
.Ltmp0:
0x58: {  	(pc) =	sbr.rel @!p0 .LBB2_3-.Ltmp0, $3  }
0x59: {  	s28 =	sadd.s32 $0x10, s28;
	[tilespmem:v3+s18+$0x0] =	vst.idx.msk $0xffff, v1  }
0x5a: {  	v1 =	vld [tilespmem:s28+$0x0];
	_ =	sdelay $0x1  }
0x5b: {  	s29 =	sadd.s32 $0x10, s29  }
0x5c: {  	_ =	sdelay $0x1  }
0x5d: {  	v2 =	vadd.s32 $0x1, v1  }
0x5e: {  	v3 =	vadd.s32 $0x200, v1  }
0x5f: {  	v4 =	vadd.s32 $0x201, v1;
	_ =	sdelay $0x1  }
0x60: {  	v1 =	vld.idx.msk [tilespmem:v1+s16+$0x0], $0xffff  }
0x61: {  	v2 =	vld.idx.msk [tilespmem:v2+s16+$0x0], $0xffff  }
0x62: {  	v3 =	vld.idx.msk [tilespmem:v3+s16+$0x0], $0xffff  }
0x63: {  	v4 =	vld.idx.msk [tilespmem:v4+s16+$0x0], $0xffff  }
0x64: {  	s25 =	sadd.s32 $0x10, s25  }
0x65: {  	v5 =	vld [tilespmem:s25+$0x0];
	_ =	sdelay $0x2  }
0x66: {  	v2 =	vsub.f32 v2, v1;
	v4 =	vsub.f32 v4, v3;
	_ =	sdelay $0x1  }
0x67: {  	s24 =	sadd.s32 $0x10, s24;
	v2 =	vmul.f32 v5, v2;
	v4 =	vmul.f32 v4, v5  }
0x68: {  	v63 =	vld [tilespmem:s24+$0x0]  }
0x69: {  	v1 =	vadd.f32 v2, v1;
	v2 =	vadd.f32 v4, v3  }
0x6a: {  	v3 =	vmov s26  }
0x6b: {  	v3 =	vshll.u32 v3, $0x3;
	v2 =	vsub.f32 v2, v1  }
0x6c: {  	v3 =	vor.u32 v0, v3  }
0x6d: {  	v2 =	vmul.f32 v2, v63;
	_ =	sdelay $0x1  }
0x6e: {  	v1 =	vadd.f32 v2, v1;
	_ =	sdelay $0x1  }
0x6f: {  	s23 =	sadd.s32 s4, s23;
	s31 =	simm.s32 $0xA010;
	s24 =	simm.s32 $0xC010;
	[tilespmem:v3+s18+$0x0] =	vst.idx.msk $0xffff, v1  }
0x70: {  	[hbm4b:s23+s19] =	stream.indirect.scatter [tilespmem:s24], [sflag:$0x1], $0x1, s31, s19, $0xb8;
	[tilespmem:$0x1C010] =	vst v63  }
0x71: {  	s25 =	simm.s32 $0x200;
	_ =	swait.ge [sflag:s17], $0x80  }
.LBB2_5:
0x72: {  	s26 =	sshra.s32 s25, $0x2  }
0x73: {  	[sflag:s17] =	ssyncset.done $0x0;
	s24 =	sadd.s32 $0x400, s24;
	p0 =	sne.s32 s25, $0x7E00  }
.Ltmp1:
0x74: {  	s26 =	sadd.s32 $0xA010, s26;
	[sflag:s17] =	ssyncadd.s32 $0xFFFFFF80;
	(pc) =	sbr.rel @p0 .LBB2_5-.Ltmp1, $3  }
0x75: {  	[hbm4b:s23+s19] =	stream.indirect.scatter [tilespmem:s24], [sflag:$0x1], $0x1, s26, s19, $0xb8;
	[tilespmem:$0x1C010] =	vst v63  }
0x76: {  	s25 =	sadd.s32 $0x200, s25;
	_ =	sdelay $0x1  }
0x77: {  	_ =	swait.ge [sflag:s17], $0x80  }
0x78: {  	s22 =	sadd.s32 $0x1, s22  }
0x79: {  	p0 =	sne.s32 s22, $0x8  }
.Ltmp2:
0x7a: {  	_ = 	snop;
	(pc) =	sbr.rel @p0 .LBB2_2-.Ltmp2, $3  }
0x7b: {  	_ =	sdelay $0x1  }
0x7c: {  	[sflag:s17] =	ssyncset.done $0x0  }
0x7d: {  	[sflag:s17] =	ssyncadd.s32 $0xFFFFFF80  }
0x7e: {  	s20 =	sadd.s32 $0x1, s20  }
0x7f: {  	p0 =	sne.s32 s20, s10  }
.Ltmp3:
0x80: {  	_ = 	snop;
	(pc) =	sbr.rel @p0 .LBB2_1-.Ltmp3, $1  }
0x81: {  	_ =	sdelay $0x3  }
0x82: {  	_ =	sfence.sel $0x180000  }
0x83: {  	[bflag:$0x0] =	sbarrier.arrive $0xFFFF  }
0x84: {  	p0 =	sne.s32 s2, $0x0;
	_ =	strace $0x90000047  }
0x85: {  	s0 =	sadd.s32 @!p0 $0x100000, s0;
	[bflag:$0x2] =	sbarrier.arrive $0xFFFF  }
0x86: {  	[sflag:s0] =	ssyncadd.tile.s32 @!p0 $0x1;
	_ =	shalt  }
.Lfunc_end2:
_tile_overlayer_lowered:
.L_overlay_start_2:
0x87: {  	(tag) =	ssettag $0x2  }
0x88: {  	s0 =	rddreg [dreg:$0x0];
	s2 =	stileid.u32  }
0x89: {  	s1 =	rddreg [dreg:$0x1];
	p0 =	sne.s32 s2, $0x0  }
0x8a: {  	s3 =	rddreg [dreg:$0x2];
	[bflag:$0x3] =	sbarrier.arrive $0xFFFF;
	s2 =	simm.s32 @!p0 $0x1C02  }
0x8b: {  	[timem:s3], [sflag:s2] =	dma.local @!p0 [hbm:s0], s1  }
0x8c: {  	s0 =	simm.s32 @!p0 $0x2  }
0x8d: {  	_ =	swait.ge @!p0 [sflag:s0], s1  }
0x8e: {  	s1 =	ssub.s32 @!p0 $0x0, s1;
	[sflag:s0] =	ssyncset.done @!p0 $0x0  }
0x8f: {  	[sflag:s0] =	ssyncadd.s32 @!p0 s1  }
0x90: {  	[bflag:$0x3] =	sbarrier.arrive $0xFFFF  }
0x91: {  	_ =	shalt  }

</sc_bundles>
